<compile_context>
chip_gen: v7x
topology: tpu7x:2x2x1
jax: 0.10.2.dev20260603
libtpu: 0.0.44.dev20260713+nightly
codegen_flags: <defaults>
</compile_context>

<pallas_src>
import functools

import jax
import jax.numpy as jnp
from jax import lax
from jax.experimental import pallas as pl
from jax.experimental.pallas import tpu as pltpu
from jax.experimental.pallas import tpu_sc as plsc

_GRID = 2


def _tc_copy_kernel(x_ref, m_ref, xo_ref, mo_ref):
    xo_ref[...] = x_ref[...]

    @pl.when(pl.program_id(0) == 0)
    def _():
        mo_ref[...] = m_ref[...] != 0.0


def _sc_copy_v(v):
    B, H, L = v.shape
    info = plsc.get_sparse_core_info()
    nw = info.num_cores * info.num_subcores
    rpw = (B * H) // nw
    wpb = H // rpw
    mesh = plsc.VectorSubcoreMesh(core_axis_name="c", subcore_axis_name="s")

    @functools.partial(
        pl.kernel, mesh=mesh,
        out_type=jax.ShapeDtypeStruct(v.shape, v.dtype),
        scratch_types=[pltpu.VMEM((rpw, L), v.dtype)],
    )
    def k(v_hbm, o_hbm, buf):
        wid = lax.axis_index("s") * info.num_cores + lax.axis_index("c")
        b = wid // wpb
        h0 = (wid % wpb) * rpw
        pltpu.sync_copy(v_hbm.at[b, pl.ds(h0, rpw)], buf)
        pltpu.sync_copy(buf, o_hbm.at[b, pl.ds(h0, rpw)])

    return k(v)


def kernel(x, v, mask):
    v_out = _sc_copy_v(v)
    B, H, L = x.shape
    xspec = pl.BlockSpec((B // _GRID, H, L), lambda i: (i, 0, 0))
    x_out, m_out = pl.pallas_call(
        _tc_copy_kernel,
        grid=(_GRID,),
        in_specs=[
            xspec,
            pl.BlockSpec(mask.shape, lambda i: (0, 0, 0)),
        ],
        out_specs=[
            xspec,
            pl.BlockSpec(mask.shape, lambda i: (0, 0, 0)),
        ],
        out_shape=[
            jax.ShapeDtypeStruct(x.shape, x.dtype),
            jax.ShapeDtypeStruct(mask.shape, jnp.bool_),
        ],
    )(x, mask)
    return (x_out, v_out, m_out)

# --- scband reference (transcript-rebuilt; emitter-appended) ---
"""Pipeline reference for scband-sequence-trimmer-17918603559410 (READ-ONLY COPY).

The authoritative reference and input builder live on the scoring server;
editing this copy changes nothing except your own understanding.
"""

import jax, jax.numpy as jnp
import numpy as np


def setup_inputs(seed: int = 0) -> dict:
    key = jax.random.key(seed)
    k1, k2 = jax.random.split(key)
    x = jax.random.normal(k1, (16, 128, 2048), dtype=jnp.float32)
    v = jax.random.normal(k2, (16, 4, 2048), dtype=jnp.float32)
    mask = jnp.ones((16, 1, 2048), dtype=jnp.float32)
    return {"x": x, "v": v, "mask": mask}


def reference(x, v, mask):
    # SequenceTrimmer.forward with enabled=False (default config):
    # builds / casts the mask and passes everything through unchanged.
    if mask is None:
        mask = jnp.ones_like(x[:, :1])
    mask = mask.astype(bool)
    # enabled=False -> no trimming / permutation branch is taken.
    # Original returns (x, v, mask, uu, graph); uu and graph are None here.
    return (x, v, mask)

if __name__ == "__main__":
    import jax
    _d = setup_inputs()
    print(jax.jit(kernel)(*tuple(_d.values())))

</pallas_src>

<mosaic_0001>
#map = affine_map<(d0, d1) -> (0, 0, 0)>
module attributes {stable_mosaic.version = 14 : i64} {
  func.func @k(%arg0: i32, %arg1: i32, %arg2: memref<16x4x2048xf32, #tpu.memory_space<hbm>>, %arg3: memref<16x4x2048xf32, #tpu.memory_space<hbm>>, %arg4: memref<2x2048xf32, #tpu.memory_space<vmem>>) attributes {dimension_semantics = [#tpu.dimension_semantics<core_parallel>, #tpu.dimension_semantics<subcore_parallel>], iteration_bounds = array<i64: 2, 16>, scalar_prefetch = 0 : i64, scratch_operands = 1 : i64, tpu.core_type = #tpu.core_type<sc_vector_subcore>, window_params = [{transform_indices = #map}, {transform_indices = #map}]} {
    %mul3A = arith.constant 2 : i32
    %mul3A_0 = arith.muli %arg1, %mul3A : i32
    %add3A = arith.addi %mul3A_0, %arg0 : i32
    %jit3A = arith.constant 2 : i32
    %div3A = arith.divsi %add3A, %jit3A : i32
    %sign3A = arith.constant 0 : i32
    %sign3A_1 = arith.cmpi sgt, %add3A, %sign3A : i32
    %sign3A_2 = arith.extui %sign3A_1 : i1 to i32
    %sign3A_3 = arith.constant 0 : i32
    %sign3A_4 = arith.cmpi slt, %add3A, %sign3A_3 : i32
    %sign3A_5 = arith.extui %sign3A_4 : i1 to i32
    %sign3A_6 = arith.subi %sign3A_2, %sign3A_5 : i32
    %sign3A_7 = arith.constant 0 : i32
    %sign3A_8 = arith.cmpi sgt, %jit3A, %sign3A_7 : i32
    %sign3A_9 = arith.extui %sign3A_8 : i1 to i32
    %sign3A_10 = arith.constant 0 : i32
    %sign3A_11 = arith.cmpi slt, %jit3A, %sign3A_10 : i32
    %sign3A_12 = arith.extui %sign3A_11 : i1 to i32
    %sign3A_13 = arith.subi %sign3A_9, %sign3A_12 : i32
    %ne3A = arith.cmpi ne, %sign3A_6, %sign3A_13 : i32
    %rem3A = arith.remsi %add3A, %jit3A : i32
    %ne3A_14 = arith.constant 0 : i32
    %ne3A_15 = arith.cmpi ne, %rem3A, %ne3A_14 : i32
    %and3A = arith.andi %ne3A, %ne3A_15 : i1
    %sub3A = arith.constant 1 : i32
    %sub3A_16 = arith.subi %div3A, %sub3A : i32
    %select_n3A = arith.select %and3A, %sub3A_16, %div3A : i32
    %jit3A_17 = arith.constant 2 : i32
    %eq3A = arith.constant 0 : i32
    %eq3A_18 = arith.cmpi eq, %jit3A_17, %eq3A : i32
    %jit3A_19 = arith.constant 1 : i32
    %select_n3A_20 = arith.select %eq3A_18, %jit3A_19, %jit3A_17 : i32
    %rem3A_21 = arith.remsi %add3A, %select_n3A_20 : i32
    %ne3A_22 = arith.constant 0 : i32
    %ne3A_23 = arith.cmpi ne, %rem3A_21, %ne3A_22 : i32
    %lt3A = arith.constant 0 : i32
    %lt3A_24 = arith.cmpi slt, %rem3A_21, %lt3A : i32
    %lt3A_25 = arith.constant 0 : i32
    %lt3A_26 = arith.cmpi slt, %select_n3A_20, %lt3A_25 : i32
    %ne3A_27 = arith.xori %lt3A_24, %lt3A_26 : i1
    %and3A_28 = arith.andi %ne3A_27, %ne3A_23 : i1
    %add3A_29 = arith.addi %rem3A_21, %select_n3A_20 : i32
    %select_n3A_30 = arith.select %and3A_28, %add3A_29, %rem3A_21 : i32
    %mul3A_31 = arith.constant 2 : i32
    %mul3A_32 = arith.muli %select_n3A_30, %mul3A_31 : i32
    "tpu.region"() ({
      %run_scoped3A = tpu.sem_alloc : memref<!tpu.dma_semaphore, #tpu.memory_space<semaphore_mem>>
      %dma_start3A = arith.constant 0 : i32
      %dma_start3A_33 = tpu.memref_slice %arg2[%select_n3A, %mul3A_32, %dma_start3A] : memref<16x4x2048xf32, #tpu.memory_space<hbm>> -> memref<1x2x2048xf32, #tpu.memory_space<hbm>>
      %dma_start3A_34 = tpu.memref_squeeze %dma_start3A_33 : memref<1x2x2048xf32, #tpu.memory_space<hbm>> -> memref<2x2048xf32, #tpu.memory_space<hbm>>
      %dma_start3A_35 = arith.constant 0 : i32
      %dma_start3A_36 = tpu.memref_slice %arg2[%select_n3A, %mul3A_32, %dma_start3A_35] : memref<16x4x2048xf32, #tpu.memory_space<hbm>> -> memref<1x2x2048xf32, #tpu.memory_space<hbm>>
      %dma_start3A_37 = tpu.memref_squeeze %dma_start3A_36 : memref<1x2x2048xf32, #tpu.memory_space<hbm>> -> memref<2x2048xf32, #tpu.memory_space<hbm>>
      tpu.enqueue_dma source(%dma_start3A_37 : memref<2x2048xf32, #tpu.memory_space<hbm>>) target(%arg4 : memref<2x2048xf32, #tpu.memory_space<vmem>>) target_semaphore(%run_scoped3A : memref<!tpu.dma_semaphore, #tpu.memory_space<semaphore_mem>>)
      %dma_wait3A = arith.constant 0 : i32
      %dma_wait3A_38 = tpu.memref_slice %arg2[%select_n3A, %mul3A_32, %dma_wait3A] : memref<16x4x2048xf32, #tpu.memory_space<hbm>> -> memref<1x2x2048xf32, #tpu.memory_space<hbm>>
      %dma_wait3A_39 = tpu.memref_squeeze %dma_wait3A_38 : memref<1x2x2048xf32, #tpu.memory_space<hbm>> -> memref<2x2048xf32, #tpu.memory_space<hbm>>
      %dma_wait3A_40 = arith.constant 0 : i32
      %dma_wait3A_41 = tpu.memref_slice %arg2[%select_n3A, %mul3A_32, %dma_wait3A_40] : memref<16x4x2048xf32, #tpu.memory_space<hbm>> -> memref<1x2x2048xf32, #tpu.memory_space<hbm>>
      %dma_wait3A_42 = tpu.memref_squeeze %dma_wait3A_41 : memref<1x2x2048xf32, #tpu.memory_space<hbm>> -> memref<2x2048xf32, #tpu.memory_space<hbm>>
      tpu.wait_dma2 semaphore(%run_scoped3A : memref<!tpu.dma_semaphore, #tpu.memory_space<semaphore_mem>>) src(%dma_wait3A_42 : memref<2x2048xf32, #tpu.memory_space<hbm>>) dst(%arg4 : memref<2x2048xf32, #tpu.memory_space<vmem>>)
      tpu.yield
    }) : () -> ()
    "tpu.region"() ({
      %run_scoped3A = tpu.sem_alloc : memref<!tpu.dma_semaphore, #tpu.memory_space<semaphore_mem>>
      %dma_start3A = arith.constant 0 : i32
      %dma_start3A_33 = tpu.memref_slice %arg3[%select_n3A, %mul3A_32, %dma_start3A] : memref<16x4x2048xf32, #tpu.memory_space<hbm>> -> memref<1x2x2048xf32, #tpu.memory_space<hbm>>
      %dma_start3A_34 = tpu.memref_squeeze %dma_start3A_33 : memref<1x2x2048xf32, #tpu.memory_space<hbm>> -> memref<2x2048xf32, #tpu.memory_space<hbm>>
      %dma_start3A_35 = arith.constant 0 : i32
      %dma_start3A_36 = tpu.memref_slice %arg3[%select_n3A, %mul3A_32, %dma_start3A_35] : memref<16x4x2048xf32, #tpu.memory_space<hbm>> -> memref<1x2x2048xf32, #tpu.memory_space<hbm>>
      %dma_start3A_37 = tpu.memref_squeeze %dma_start3A_36 : memref<1x2x2048xf32, #tpu.memory_space<hbm>> -> memref<2x2048xf32, #tpu.memory_space<hbm>>
      tpu.enqueue_dma source(%arg4 : memref<2x2048xf32, #tpu.memory_space<vmem>>) target(%dma_start3A_37 : memref<2x2048xf32, #tpu.memory_space<hbm>>) target_semaphore(%run_scoped3A : memref<!tpu.dma_semaphore, #tpu.memory_space<semaphore_mem>>)
      %dma_wait3A = arith.constant 0 : i32
      %dma_wait3A_38 = tpu.memref_slice %arg3[%select_n3A, %mul3A_32, %dma_wait3A] : memref<16x4x2048xf32, #tpu.memory_space<hbm>> -> memref<1x2x2048xf32, #tpu.memory_space<hbm>>
      %dma_wait3A_39 = tpu.memref_squeeze %dma_wait3A_38 : memref<1x2x2048xf32, #tpu.memory_space<hbm>> -> memref<2x2048xf32, #tpu.memory_space<hbm>>
      %dma_wait3A_40 = arith.constant 0 : i32
      %dma_wait3A_41 = tpu.memref_slice %arg3[%select_n3A, %mul3A_32, %dma_wait3A_40] : memref<16x4x2048xf32, #tpu.memory_space<hbm>> -> memref<1x2x2048xf32, #tpu.memory_space<hbm>>
      %dma_wait3A_42 = tpu.memref_squeeze %dma_wait3A_41 : memref<1x2x2048xf32, #tpu.memory_space<hbm>> -> memref<2x2048xf32, #tpu.memory_space<hbm>>
      tpu.wait_dma2 semaphore(%run_scoped3A : memref<!tpu.dma_semaphore, #tpu.memory_space<semaphore_mem>>) src(%arg4 : memref<2x2048xf32, #tpu.memory_space<vmem>>) dst(%dma_wait3A_42 : memref<2x2048xf32, #tpu.memory_space<hbm>>)
      tpu.yield
    }) : () -> ()
    return
  }
}

module attributes {stable_mosaic.version = 14 : i64} {
  func.func @_tc_copy_kernel(%arg0: i32, %arg1: memref<8x128x2048xf32, #tpu.memory_space<vmem>>, %arg2: memref<16x1x2048xf32, #tpu.memory_space<vmem>>, %arg3: memref<8x128x2048xf32, #tpu.memory_space<vmem>>, %arg4: memref<16x1x2048xi32, #tpu.memory_space<vmem>>) attributes {dimension_semantics = [#tpu.dimension_semantics<arbitrary>], iteration_bounds = array<i64: 2>, scalar_prefetch = 0 : i64, scratch_operands = 0 : i64, tpu.core_type = #tpu.core_type<tc>, window_params = [{transform_indices = @transform_0, window_bounds = array<i64: 8, 128, 2048>}, {pipeline_mode = #tpu.pipeline_mode<synchronous>, transform_indices = @transform_1, window_bounds = array<i64: 16, 1, 2048>}, {transform_indices = @transform_2, window_bounds = array<i64: 8, 128, 2048>}, {pipeline_mode = #tpu.pipeline_mode<synchronous>, transform_indices = @transform_3, window_bounds = array<i64: 16, 1, 2048>}]} {
    %get3A = arith.constant 0 : index
    %get3A_0 = arith.constant 0 : index
    %get3A_1 = arith.constant 0 : index
    %get3A_2 = vector.load %arg1[%get3A, %get3A_0, %get3A_1] : memref<8x128x2048xf32, #tpu.memory_space<vmem>>, vector<8x128x2048xf32>
    %swap3A = arith.constant 0 : index
    %swap3A_3 = arith.constant 0 : index
    %swap3A_4 = arith.constant 0 : index
    %swap3A_5 = vector.load %arg3[%swap3A, %swap3A_3, %swap3A_4] : memref<8x128x2048xf32, #tpu.memory_space<vmem>>, vector<8x128x2048xf32>
    tpu.vector_store %arg3[%swap3A, %swap3A_3, %swap3A_4], %get3A_2 {strides = array<i32>} : memref<8x128x2048xf32, #tpu.memory_space<vmem>>, vector<8x128x2048xf32>,
    %eq3A = arith.constant 0 : i32
    %eq3A_6 = arith.cmpi eq, %arg0, %eq3A : i32
    %convert_element_type3A = arith.extui %eq3A_6 : i1 to i32
    %cond3A = arith.constant 0 : i32
    %cond3A_7 = arith.cmpi ne, %convert_element_type3A, %cond3A : i32
    scf.if %cond3A_7 {
      %get3A_8 = arith.constant 0 : index
      %get3A_9 = arith.constant 0 : index
      %get3A_10 = arith.constant 0 : index
      %get3A_11 = vector.load %arg2[%get3A_8, %get3A_9, %get3A_10] : memref<16x1x2048xf32, #tpu.memory_space<vmem>>, vector<16x1x2048xf32>
      %ne3A = arith.constant 0.000000e+00 : f32
      %ne3A_12 = vector.broadcast %ne3A : f32 to vector<16x1x2048xf32>
      %ne3A_13 = arith.cmpf one, %get3A_11, %ne3A_12 : vector<16x1x2048xf32>
      %swap3A_14 = arith.constant 0 : index
      %swap3A_15 = arith.constant 0 : index
      %swap3A_16 = arith.constant 0 : index
      %swap3A_17 = vector.load %arg4[%swap3A_14, %swap3A_15, %swap3A_16] : memref<16x1x2048xi32, #tpu.memory_space<vmem>>, vector<16x1x2048xi32>
      %swap3A_18 = arith.extui %ne3A_13 : vector<16x1x2048xi1> to vector<16x1x2048xi32>
      %swap3A_19 = arith.constant dense<0> : vector<16x1x2048xi32>
      %swap3A_20 = arith.cmpi ne, %swap3A_17, %swap3A_19 : vector<16x1x2048xi32>
      tpu.vector_store %arg4[%swap3A_14, %swap3A_15, %swap3A_16], %swap3A_18 {strides = array<i32>} : memref<16x1x2048xi32, #tpu.memory_space<vmem>>, vector<16x1x2048xi32>,
    } else {
    }
    return
  }
  func.func @transform_0(%arg0: i32) -> (i32, i32, i32) {
    %c0_i32 = arith.constant 0 : i32
    %c0_i32_0 = arith.constant 0 : i32
    %c0_i32_1 = arith.constant 0 : i32
    return %arg0, %c0_i32, %c0_i32_0 : i32, i32, i32
  }
  func.func @transform_1(%arg0: i32) -> (i32, i32, i32) {
    %c0_i32 = arith.constant 0 : i32
    %c0_i32_0 = arith.constant 0 : i32
    %c0_i32_1 = arith.constant 0 : i32
    %c0_i32_2 = arith.constant 0 : i32
    return %c0_i32, %c0_i32_0, %c0_i32_1 : i32, i32, i32
  }
  func.func @transform_2(%arg0: i32) -> (i32, i32, i32) {
    %c0_i32 = arith.constant 0 : i32
    %c0_i32_0 = arith.constant 0 : i32
    %c0_i32_1 = arith.constant 0 : i32
    return %arg0, %c0_i32, %c0_i32_0 : i32, i32, i32
  }
  func.func @transform_3(%arg0: i32) -> (i32, i32, i32) {
    %c0_i32 = arith.constant 0 : i32
    %c0_i32_0 = arith.constant 0 : i32
    %c0_i32_1 = arith.constant 0 : i32
    %c0_i32_2 = arith.constant 0 : i32
    return %c0_i32, %c0_i32_0, %c0_i32_1 : i32, i32, i32
  }
}

</mosaic_0001>

<sc_bundles>
// kernel: kernel.4.cloned.1.call-start
scs
__scs_entry_jumppad:
0x0: {  	(pc) =	sbr.rel $0x88, $3  }
0x1: {  	(tag) =	ssettag $0x0;
	lr =	simm.s32 $0x1  }
0x2: {  	[smem:$0x3F9E] =	sst lr;
	_ =	strace $0xD0000000  }
0x3: {  	_ = 	snop  }
0x4: {  	_ = 	snop  }
0x5: {  	_ = 	snop  }
0x6: {  	_ = 	snop  }
0x7: {  	_ = 	snop  }
__scs_overlays_trampoline_lowered:
0x8: {  	[smem:$0x3FAD] =	sst s0  }
0x9: {  	[smem:$0x3FAE] =	sst s1  }
0xa: {  	[smem:$0x3FAF] =	sst s2  }
0xb: {  	[smem:$0x3FB0] =	sst s3  }
0xc: {  	[smem:$0x3FB1] =	sst s4  }
0xd: {  	[smem:$0x3FB2] =	sst s5  }
0xe: {  	[smem:$0x3FB3] =	sst s6  }
0xf: {  	[smem:$0x3FB4] =	sst s7  }
0x10: {  	[smem:$0x3FB5] =	sst s8  }
0x11: {  	[smem:$0x3FB6] =	sst s9;
	s0 =	simm.s32 @!p0 $0x0  }
0x12: {  	s1 =	sld [smem:$0x3F9C];
	s0 =	simm.s32 @p0 $0x1  }
0x13: {  	[smem:$0x3FB7] =	sst s0;
	s0 =	simm.s32 @!p1 $0x0  }
0x14: {  	s2 =	sld [smem:$0x3F9B];
	s0 =	simm.s32 @p1 $0x1  }
0x15: {  	[smem:$0x3FB8] =	sst s0;
	s0 =	simm.s32 @!p2 $0x0  }
0x16: {  	s3 =	sld [smem:$0x3FDB];
	s0 =	simm.s32 @p2 $0x1  }
0x17: {  	s4 =	simm.s32 $0x1BF5;
	[smem:$0x3FBA] =	sst s0  }
0x18: {  	s0 =	sld [smem:$0x3F9D];
	_ =	swait.ge [sflag:s4], $0x0  }
0x19: {  	s7 =	sld [smem:$0x3F9E]  }
0x1a: {  	s8 =	sadd.s32 $0xFFFFE003, lr  }
0x1b: {  	s9 =	sadd.s32 $0xFFFFFEF7, lr;
	s5 =	simm.s32 $0xFFFFFFFF;
	p2 =	slt.u32 s8, $0xFFFFF086  }
0x1c: {  	p1 =	slt.u32 s9, $0xF7A;
	s5 =	simm.s32 @!p2 $0x0  }
0x1d: {  	s5 =	simm.s32 @p1 $0x1;
	p0 =	seq.s32 s7, s2  }
0x1e: {  	s7 =	smul.u32 @!p0 $0xF7A, s2;
	p2 =	seq.s32 @!p0 s5, $0x0  }
0x1f: {  	s9 =	smul.u32 $0xF7A, s1;
	s8 =	simm.s32 @!p0 $0x1BF5;
	p2 =	por !p2, p0  }
0x20: {  	[sflag:s8] =	ssyncset.s32 @!p0 $0xFFFFF086;
	s6 =	sadd.s32 @!p0 s3, s7;
	s7 =	simm.s32 @!p0 $0x108  }
0x21: {  	s3 =	sadd.s32 s3, s9;
	s6 =	sadd.s32 @!p0 $0x88, s6;
	s7 =	simm.s32 @p2 $0x1082  }
0x22: {  	[simem:s7], [sflag:s8] =	dma.local @!p0 [hbm:s6], $0xF7A  }
0x23: {  	s9 =	sor.u32 $0xD0000000, s2;
	s6 =	simm.s32 $0x108;
	_ =	swait.ge @!p0 [sflag:s8], $0x0  }
0x24: {  	s3 =	sadd.s32 $0x88, s3;
	s6 =	simm.s32 @!p1 $0x1082;
	[sflag:s4] =	ssyncset.s32 $0xFFFFF086  }
0x25: {  	[simem:s6], [sflag:s4] =	dma.local [hbm:s3], $0xF7A  }
0x26: {  	[smem:$0x3F9E] =	sst s1;
	(tag) =	ssettag s2;
	_ =	strace s9  }
0x27: {  	s1 =	sld [smem:$0x3FAE]  }
0x28: {  	s2 =	sld [smem:$0x3FAF]  }
0x29: {  	s4 =	sld [smem:$0x3FB1]  }
0x2a: {  	p0 =	seq.s32 s5, $0x0;
	s5 =	sld [smem:$0x3FB2]  }
0x2b: {  	s6 =	sld [smem:$0x3FB3]  }
0x2c: {  	s7 =	sld [smem:$0x3FB4]  }
0x2d: {  	s3 =	simm.s32 $0x108;
	s8 =	sld [smem:$0x3FB5]  }
0x2e: {  	s3 =	simm.s32 @!p0 $0x1082;
	s9 =	sld [smem:$0x3FB6]  }
0x2f: {  	lr =	sadd.s32 s0, s3;
	s0 =	sld [smem:$0x3FAD]  }
0x30: {  	s3 =	sld [smem:$0x3FB0]  }
0x31: {  	[smem:$0x3FB9] =	sst s10  }
0x32: {  	s10 =	sld [smem:$0x3FB7];
	_ =	sdelay $0x3  }
0x33: {  	p0 =	seq.s32 s10, $0x1;
	s10 =	sld [smem:$0x3FB9];
	_ =	sdelay $0x3  }
0x34: {  	[smem:$0x3FB9] =	sst s10  }
0x35: {  	s10 =	sld [smem:$0x3FB8];
	_ =	sdelay $0x3  }
0x36: {  	p1 =	seq.s32 s10, $0x1;
	s10 =	sld [smem:$0x3FB9];
	_ =	sdelay $0x3  }
0x37: {  	[smem:$0x3FB9] =	sst s10  }
0x38: {  	s10 =	sld [smem:$0x3FBA]  }
0x39: {  	_ = 	snop;
	(pc) =	sbr.ind lr, $3  }
0x3a: {  	_ = 	snop  }
0x3b: {  	_ = 	snop  }
0x3c: {  	p2 =	seq.s32 s10, $0x1;
	s10 =	sld [smem:$0x3FB9]  }
0x3d: {  	_ =	shalt  }
0x3e: {  	_ =	shalt  }
0x3f: {  	_ =	shalt  }
0x40: {  	_ =	shalt  }
0x41: {  	_ =	shalt  }
0x42: {  	_ =	shalt  }
0x43: {  	_ =	shalt  }
0x44: {  	_ =	shalt  }
0x45: {  	_ =	shalt  }
0x46: {  	_ =	shalt  }
0x47: {  	_ =	shalt  }
0x48: {  	_ =	shalt  }
0x49: {  	_ =	shalt  }
0x4a: {  	_ =	shalt  }
0x4b: {  	_ =	shalt  }
0x4c: {  	_ =	shalt  }
0x4d: {  	_ =	shalt  }
0x4e: {  	_ =	shalt  }
0x4f: {  	_ =	shalt  }
0x50: {  	_ =	shalt  }
0x51: {  	_ =	shalt  }
0x52: {  	_ =	shalt  }
0x53: {  	_ =	shalt  }
0x54: {  	_ =	shalt  }
0x55: {  	_ =	shalt  }
0x56: {  	_ =	shalt  }
0x57: {  	_ =	shalt  }
0x58: {  	_ =	shalt  }
0x59: {  	_ =	shalt  }
0x5a: {  	_ =	shalt  }
0x5b: {  	_ =	shalt  }
0x5c: {  	_ =	shalt  }
0x5d: {  	_ =	shalt  }
0x5e: {  	_ =	shalt  }
0x5f: {  	_ =	shalt  }
0x60: {  	_ =	shalt  }
0x61: {  	_ =	shalt  }
0x62: {  	_ =	shalt  }
0x63: {  	_ =	shalt  }
0x64: {  	_ =	shalt  }
0x65: {  	_ =	shalt  }
0x66: {  	_ =	shalt  }
0x67: {  	_ =	shalt  }
0x68: {  	_ =	shalt  }
0x69: {  	_ =	shalt  }
0x6a: {  	_ =	shalt  }
0x6b: {  	_ =	shalt  }
0x6c: {  	_ =	shalt  }
0x6d: {  	_ =	shalt  }
0x6e: {  	_ =	shalt  }
0x6f: {  	_ =	shalt  }
0x70: {  	_ =	shalt  }
0x71: {  	_ =	shalt  }
0x72: {  	_ =	shalt  }
0x73: {  	_ =	shalt  }
0x74: {  	_ =	shalt  }
0x75: {  	_ =	shalt  }
0x76: {  	_ =	shalt  }
0x77: {  	_ =	shalt  }
0x78: {  	_ =	shalt  }
0x79: {  	_ =	shalt  }
0x7a: {  	_ =	shalt  }
0x7b: {  	_ =	shalt  }
0x7c: {  	_ =	shalt  }
0x7d: {  	_ =	shalt  }
0x7e: {  	_ =	shalt  }
0x7f: {  	_ =	shalt  }
0x80: {  	_ =	shalt  }
0x81: {  	_ =	shalt  }
0x82: {  	_ =	shalt  }
0x83: {  	_ =	shalt  }
0x84: {  	_ =	shalt  }
0x85: {  	_ =	shalt  }
0x86: {  	_ =	shalt  }
0x87: {  	_ =	shalt  }
.Lfunc_end0:
.L_simem_size_0:
called_computation_lowered:
.L_overlay_start_0:
0x88: {  	s2 =	sld [smem:$0x3FD9]  }
0x89: {  	s3 =	sld [smem:$0x3FFE];
	_ =	sdelay $0x1  }
0x8a: {  	s1 =	srdreg.scid  }
0x8b: {  	s0 =	sand.u32 $0x1, s1  }
0x8c: {  	s15 =	sshll.u32 s0, $0xA;
	s2 =	sadd.s32 s3, s2  }
0x8d: {  	s2 =	sadd.s32 s2, s15  }
0x8e: {  	[smem:$0x3FC5] =	sst s2  }
0x8f: {  	_ = 	snop  }
0x90: {  	s2 =	sld [smem:$0x3FD0];
	_ =	sdelay $0x2  }
0x91: {  	s4 =	simm.s32 $0xA;
	s5 =	simm.s32 $0x10;
	s16 =	sld [smem:$0x3FC8]  }
0x92: {  	[smem:s5], [sflag:s4] =	dma.local [hbm:s2], $0x1  }
0x93: {  	_ =	swait.eq [sflag:s4], $0x1  }
0x94: {  	[sflag:s4] =	ssyncset.done $0x0  }
0x95: {  	[sflag:s4] =	ssyncadd.s32 $0xFFFFFFFF  }
0x96: {  	s17 =	sld [smem:$0x11];
	(tm) =	ssettm $0x1  }
0x97: {  	s18 =	sld [smem:$0x3FFB];
	_ =	sdelay $0x3  }
0x98: {  	_ =	strace s18  }
0x99: {  	s4 =	sld [smem:$0x3FFC];
	_ =	sdelay $0x3  }
0x9a: {  	_ =	strace s4  }
0x9b: {  	s4 =	sld [smem:$0x3FFD];
	_ =	sdelay $0x3  }
0x9c: {  	_ =	strace s4  }
0x9d: {  	_ =	strace $0x8FFFFFFF  }
0x9e: {  	s19 =	sld [smem:$0x3FDB];
	_ =	sdelay $0x1  }
0x9f: {  	s20 =	simm.s32 $_scs_section_size  }
0xa0: {  	s6 =	simm.s32 $_size__tile_overlayer_lowered;
	s7 =	simm.s32 $_tile_overlayer_lowered  }
0xa1: {  	s23 =	simm.s32 $0x1BFF;
	s22 =	sshll.u32 s7, $0x1;
	s4 =	sadd.s32 s20, s19  }
0xa2: {  	s8 =	simm.s32 $0x0;
	s21 =	sshll.u32 s6, $0x1;
	s6 =	sadd.s32 s22, s4  }
0xa3: {  	[timem:s8], [sflag:s23] =	dma.local [hbm:s6], s21  }
0xa4: {  	_ =	swait.ge [sflag:s23], s21  }
0xa5: {  	s5 =	ssub.s32 $0x0, s21;
	[sflag:s23] =	ssyncset.done $0x0  }
0xa6: {  	[sflag:s23] =	ssyncadd.s32 s5;
	_ =	sdelay $0x1  }
0xa7: {  	s24 =	simm.s32 $0x1B8B  }
0xa8: {  	_ =	swait.ge [sflag:s24], $0x1  }
0xa9: {  	[sflag:s24] =	ssyncset.done $0x0  }
0xaa: {  	s25 =	simm.s32 $0x1B8E;
	[sflag:s24] =	ssyncadd.s32 $0xFFFFFFFF  }
0xab: {  	s26 =	simm.s32 $execute0_lowered;
	[smem:$0x3FD2] =	sst s25  }
0xac: {  	s5 =	sshll.u32 s26, $0x1;
	_ =	strace $0x80000046;
	[dreg:$0x1] =	wrdreg $0xFFFFFFFF  }
0xad: {  	s28 =	simm.s32 $_size_execute0_lowered;
	s4 =	sadd.s32 s4, s5;
	[dreg:$0x0] =	wrdreg $0x0  }
0xae: {  	s5 =	sshll.u32 s28, $0x1;
	[dreg:$0x2] =	wrdreg s4  }
0xaf: {  	[dreg:$0x3] =	wrdreg s5  }
0xb0: {  	[dreg:$0x4] =	wrdreg $0xC0  }
0xb1: {  	_ =	task [dreg:s8], $0x5FFFF  }
0xb2: {  	[dreg:$0x1] =	wrdreg $0xFFFFFFFF  }
0xb3: {  	[dreg:$0x0] =	wrdreg $0x60  }
0xb4: {  	[dreg:$0x2] =	wrdreg s16  }
0xb5: {  	[dreg:$0x3] =	wrdreg s17  }
0xb6: {  	[dreg:$0x4] =	wrdreg $0x9  }
0xb7: {  	_ =	task.clear_ibuf [dreg:s8], $0x5FFFF;
	_ =	strace $0x90000046  }
0xb8: {  	s29 =	simm.s32 $0x9;
	_ =	strace $0x80000048  }
0xb9: {  	_ =	swait.ge [sflag:s29], $0x1  }
0xba: {  	[sflag:s29] =	ssyncadd.s32 $0xFFFFFFFF  }
0xbb: {  	_ =	strace $0x90000048  }
0xbc: {  	_ =	sfence  }
0xbd: {  	s30 =	sld [smem:$0x0];
	_ =	sdelay $0x2  }
0xbe: {  	s31 =	sshll.u32 s1, $0xD;
	s1 =	sshrl.u32 s1, $0x2  }
0xbf: {  	s3 =	sand.u32 $0x4000, s31;
	s1 =	sadd.s32 s1, s30  }
0xc0: {  	s0 =	sor.u32 s3, s0;
	s1 =	sshll.u32 s1, $0x11  }
0xc1: {  	s0 =	sor.u32 s1, s0  }
0xc2: {  	s0 =	sadd.s32 $0x8F2B, s0  }
0xc3: {  	[sflag:s0] =	ssyncadd.remote.s32 $0x1  }
0xc4: {  	_ =	sfence.sel $0xFFFF  }
0xc5: {  	[dreg:$0x0] =	wrdreg $0xFFFFFFFF;
	(pc) =	sbr.abs _section_cstart, $3  }
0xc6: {  	[dreg:$0x1] =	wrdreg $0xFFFFFFFF  }
0xc7: {  	_ =	task.clear_ibuf [dreg:s8], $0x2FFFF;
	_ =	strace $0x9FFFFFFF  }
0xc8: {  	(tm) =	ssettm $0x7FFFFFFF  }
0xc9: {  	_ =	shalt  }
tec
execute0_lowered:
.L_overlay_start_1:
0x0: {  	(tag) =	ssettag $0x1  }
0x1: {  	s1 =	srdreg.scid  }
0x2: {  	s0 =	stileid.u32;
	s3 =	sand.u32 $0x1, s1  }
0x3: {  	s1 =	sor.u32 s3, s0  }
0x4: {  	p1 =	seq.s32 s3, $0x1;
	p0 =	seq.s32 s1, $0x0  }
0x5: {  	s4 =	rddreg [dreg:$0x0];
	s5 =	simm.s32 $0x1;
	p0 =	por !p0, !p1  }
0x6: {  	s7 =	rddreg [dreg:$0x1];
	s2 =	simm.s32 $0x0;
	p0 =	por !p0, !p0  }
0x7: {  	[smem:$0x7FF] =	sst s2;
	s5 =	simm.s32 @!p0 $0x0  }
0x8: {  	s6 =	sshll.u32 s3, $0x8;
	s8 =	ssub.s32 $0x2, s3;
	s5 =	ssub.s32 s0, s5  }
0x9: {  	s3 =	simm.s32 $0x1;
	s10 =	sshrl.u32 s8, $0x1;
	s5 =	sshll.u32 s5, $0xD  }
0xa: {  	s1 =	rddreg [dreg:$0x2];
	s8 =	ssub.s32 s8, s10;
	s5 =	sor.u32 s6, s5  }
0xb: {  	_ =	strace $0x80000047;
	s8 =	smax.u32 s8, $0x1;
	s9 =	sshrl.u32 s5, $0x3  }
0xc: {  	s6 =	simm.s32 $0x200;
	s5 =	simm.s32 $0x100;
	s4 =	sadd.s32 s4, s9  }
0xd: {  	[tilespmem:s2], [sflag:$0x1] =	stream.strided.gather [hbm4b:s4+s5], $0x1000, s6, s5, $0x38;
	[tilespmem:$0x1000] =	vst v63  }
0xe: {  	p0 =	sne.s32 s8, $0x1;
	_ =	swait.ge [sflag:s3], $0x1000  }
.Ltmp0:
0xf: {  	[sflag:s3] =	ssyncset.done $0x0;
	(pc) =	sbr.rel @!p0 .LBB2_2-.Ltmp0, $4  }
0x10: {  	s7 =	sadd.s32 s7, s9;
	[sflag:s3] =	ssyncadd.s32 $0xFFFFF000  }
0x11: {  	[hbm4b:s7+s5] =	stream.strided.scatter [tilespmem:s2], [sflag:$0x1], $0x1000, s6, s5, $0x38;
	[tilespmem:$0x1000] =	vst v63  }
0x12: {  	_ =	swait.ge [sflag:s3], $0x1000  }
0x13: {  	s8 =	sadd.s32 $0xFFFFFFFF, s8;
	[sflag:s3] =	ssyncset.done $0x0  }
.LBB2_1:
0x14: {  	p0 =	sne.s32 s8, $0x1;
	s8 =	sadd.s32 $0xFFFFFFFF, s8;
	[sflag:s3] =	ssyncadd.s32 $0xFFFFF000  }
0x15: {  	[tilespmem:s2], [sflag:$0x1] =	stream.strided.gather [hbm4b:s4+s5], $0x1000, s6, s5, $0x38;
	[tilespmem:$0x1000] =	vst v63  }
0x16: {  	_ =	swait.ge [sflag:s3], $0x1000  }
.Ltmp1:
0x17: {  	[sflag:s3] =	ssyncset.done $0x0;
	(pc) =	sbr.rel @p0 .LBB2_1-.Ltmp1, $4  }
0x18: {  	[sflag:s3] =	ssyncadd.s32 $0xFFFFF000  }
0x19: {  	[hbm4b:s7+s5] =	stream.strided.scatter [tilespmem:s2], [sflag:$0x1], $0x1000, s6, s5, $0x38;
	[tilespmem:$0x1000] =	vst v63  }
0x1a: {  	_ =	swait.ge [sflag:s3], $0x1000  }
0x1b: {  	[sflag:s3] =	ssyncset.done $0x0  }
.LBB2_2:
0x1c: {  	[sflag:s3] =	ssyncadd.s32 $0xFFFFF000  }
0x1d: {  	_ =	sfence.sel $0x180000  }
0x1e: {  	[bflag:$0x0] =	sbarrier.arrive $0xFFFF  }
0x1f: {  	p0 =	sne.s32 s0, $0x0;
	_ =	strace $0x90000047  }
0x20: {  	s0 =	sadd.s32 @!p0 $0x100000, s1;
	[bflag:$0x2] =	sbarrier.arrive $0xFFFF  }
0x21: {  	[sflag:s0] =	ssyncadd.tile.s32 @!p0 $0x1;
	_ =	shalt  }
.Lfunc_end2:
_tile_overlayer_lowered:
.L_overlay_start_2:
0x22: {  	(tag) =	ssettag $0x2  }
0x23: {  	s0 =	rddreg [dreg:$0x0];
	s2 =	stileid.u32  }
0x24: {  	s1 =	rddreg [dreg:$0x1];
	p0 =	sne.s32 s2, $0x0  }
0x25: {  	s3 =	rddreg [dreg:$0x2];
	[bflag:$0x3] =	sbarrier.arrive $0xFFFF;
	s2 =	simm.s32 @!p0 $0x1C01  }
0x26: {  	[timem:s3], [sflag:s2] =	dma.local @!p0 [hbm:s0], s1  }
0x27: {  	s0 =	simm.s32 @!p0 $0x1  }
0x28: {  	_ =	swait.ge @!p0 [sflag:s0], s1  }
0x29: {  	s1 =	ssub.s32 @!p0 $0x0, s1;
	[sflag:s0] =	ssyncset.done @!p0 $0x0  }
0x2a: {  	[sflag:s0] =	ssyncadd.s32 @!p0 s1  }
0x2b: {  	[bflag:$0x3] =	sbarrier.arrive $0xFFFF  }
0x2c: {  	_ =	shalt  }

</sc_bundles>
